<compile_context>
chip_gen: v7x
topology: tpu7x:2x2x1
jax: 0.10.2.dev20260603
libtpu: 0.0.44.dev20260713+nightly
codegen_flags: <defaults>
</compile_context>

<pallas_src>
import functools

import jax
import jax.numpy as jnp
from jax import lax
from jax.experimental import pallas as pl
from jax.experimental.pallas import tpu as pltpu
from jax.experimental.pallas import tpu_sc as plsc

N = 10000
E = 160000
D = 256
H = 128
NS = 16
NPB = 625
P = 10800
K = 80
NCHUNK = P // K
TRASH = N
AROWS = N + 16
RPT = 624



def _sc_scatter_body(x_hbm, packed_hbm, zeros_hbm, out_hbm,
                     pk_v, src_v, dst_v, rows_v, agg_sh, sem):
    c = lax.axis_index("c")
    s = lax.axis_index("s")

    pltpu.sync_copy(zeros_hbm.at[pl.ds(s * RPT, RPT)],
                    agg_sh.at[pl.ds(s * RPT, RPT)])

    @pl.when(s < 2)
    def _():
        pltpu.sync_copy(zeros_hbm.at[pl.ds(NS * RPT + s * 8, 8)],
                        agg_sh.at[pl.ds(NS * RPT + s * 8, 8)])

    plsc.subcore_barrier()

    ebase = s * P

    cN = c * N

    @pl.loop(0, NCHUNK)
    def _(j):
        base = ebase + j * K
        pltpu.sync_copy(packed_hbm.at[pl.ds(base, K)], pk_v)
        for i in range(K // 16):
            sl = pl.ds(i * 16, 16)
            p = pk_v[sl]
            src_v[sl] = (p >> 14) + cN
            dst_v[sl] = p & 16383
        pltpu.async_copy(x_hbm.at[src_v], rows_v, sem).wait()
        pltpu.sync_copy(rows_v, agg_sh.at[dst_v], add=True)

    plsc.subcore_barrier()
    pltpu.sync_copy(agg_sh.at[pl.ds(s * RPT, RPT)],
                    out_hbm.at[pl.ds(c * N + s * RPT, RPT)])

    @pl.when(s < 2)
    def _():
        pltpu.sync_copy(agg_sh.at[pl.ds(NS * RPT + s * 8, 8)],
                        out_hbm.at[pl.ds(c * N + NS * RPT + s * 8, 8)])


@jax.jit
def _sc_scatter(x_flat, packed, zeros):
    mesh = plsc.VectorSubcoreMesh(core_axis_name="c", subcore_axis_name="s",
                                  num_cores=2, num_subcores=NS)
    fn = pl.kernel(
        _sc_scatter_body,
        out_type=jax.ShapeDtypeStruct((2 * N, H), jnp.float32),
        mesh=mesh,
        scratch_types=[
            pltpu.VMEM((K,), jnp.int32),
            pltpu.VMEM((K,), jnp.int32),
            pltpu.VMEM((K,), jnp.int32),
            pltpu.VMEM((K, H), jnp.float32),
            pltpu.VMEM_SHARED((AROWS, H), jnp.float32),
            pltpu.SemaphoreType.DMA,
        ],
    )
    return fn(x_flat, packed, zeros)



RB = 2000
NB = N // RB


def _dot_mx(a, b):
    return jnp.dot(a, b, preferred_element_type=jnp.float32)


def _leaky(h):
    return jnp.where(h >= 0.0, h, 0.01 * h)


def _col_sum(h_ref, f):
    def half(lo):
        def body(i, acc):
            return acc + f(h_ref[pl.ds(lo + i * 8, 8), :])
        acc = lax.fori_loop(0, (N // 2) // 8, body,
                            jnp.zeros((8, D), jnp.float32), unroll=25)
        t = acc[0:4, :] + acc[4:8, :]
        t = t[0:2, :] + t[2:4, :]
        return t[0:1, :] + t[1:2, :]
    return half(0) + half(N // 2)


def _bn_stats(h_ref):
    mu = _col_sum(h_ref, lambda t: t) * (1.0 / N)
    var = _col_sum(h_ref, lambda t: (t - mu) * (t - mu)) * (1.0 / N)
    return mu, var


def _bn_apply(h, mu, var, g, b):
    return (h - mu) / jnp.sqrt(var + 1e-5) * g + b


def _mm1_body(x_ref, a_ref, w_ref, b_ref, eps_ref, o_ref):
    e = 1.0 + eps_ref[0, 0]
    for i in range(NB):
        r = pl.ds(i * RB, RB)
        rt = pl.ds(N + i * RB, RB)
        u = jnp.concatenate([e * x_ref[r, :] + a_ref[r, :],
                             e * x_ref[rt, :] + a_ref[rt, :]], axis=1)
        o_ref[r, :] = _dot_mx(u, w_ref[...]) + b_ref[...]


@jax.jit
def _tc_mm1(x_flat, agg_flat, w1, b1, eps):
    return pl.pallas_call(
        _mm1_body,
        out_shape=jax.ShapeDtypeStruct((N, D), jnp.float32),
    )(x_flat, agg_flat, w1, b1.reshape(1, D), eps.reshape(1, 1))


def _bn_mm2_body(h_ref, g1_ref, be1_ref, w2_ref, b2_ref, g2_ref, be2_ref,
                 o_ref, y_ref, *, do_bn2):
    mu, var = _bn_stats(h_ref)
    h = _leaky(_bn_apply(h_ref[...], mu, var, g1_ref[...], be1_ref[...]))
    for i in range(NB):
        r = pl.ds(i * RB, RB)
        y_ref[r, :] = _dot_mx(h[i * RB:(i + 1) * RB, :], w2_ref[...]) + b2_ref[...]
    y = y_ref[...]
    if do_bn2:
        mu2, var2 = _bn_stats(y_ref)
        y = _bn_apply(y, mu2, var2, g2_ref[...], be2_ref[...])
    y = _leaky(y)
    o_ref[:N, :] = y[:, :H]
    o_ref[N:, :] = y[:, H:]


@functools.partial(jax.jit, static_argnames=("do_bn2",))
def _tc_bn_mm2(h1, g1, be1, w2, b2, g2, be2, do_bn2):
    return pl.pallas_call(
        functools.partial(_bn_mm2_body, do_bn2=do_bn2),
        out_shape=jax.ShapeDtypeStruct((2 * N, H), jnp.float32),
        scratch_shapes=[pltpu.VMEM((N, D), jnp.float32)],
    )(h1, g1.reshape(1, D), be1.reshape(1, D), w2, b2.reshape(1, D),
      g2.reshape(1, D), be2.reshape(1, D))


def _cls_body(x_ref, w1_ref, b1_ref, g1_ref, be1_ref, w2_ref, b2_ref,
              g2_ref, be2_ref, w3_ref, b3_ref, o_ref, t_ref):
    for i in range(NB):
        r = pl.ds(i * RB, RB)
        rt = pl.ds(N + i * RB, RB)
        u = jnp.concatenate([x_ref[r, :], x_ref[rt, :]], axis=1)
        t_ref[r, :] = _dot_mx(u, w1_ref[...]) + b1_ref[...]
    mu, var = _bn_stats(t_ref)
    h = _leaky(_bn_apply(t_ref[...], mu, var, g1_ref[...], be1_ref[...]))
    for i in range(NB):
        r = pl.ds(i * RB, RB)
        t_ref[r, :] = _dot_mx(h[i * RB:(i + 1) * RB, :], w2_ref[...]) + b2_ref[...]
    mu2, var2 = _bn_stats(t_ref)
    h2 = _leaky(_bn_apply(t_ref[...], mu2, var2, g2_ref[...], be2_ref[...]))
    h2b = h2.astype(jnp.bfloat16).astype(jnp.float32)
    w3b = w3_ref[...].astype(jnp.bfloat16).astype(jnp.float32)
    o_ref[...] = jnp.sum(h2b * w3b, axis=1, keepdims=True) + b3_ref[0, 0]


@jax.jit
def _tc_cls(x_flat, w1, b1, g1, be1, w2, b2, g2, be2, w3, b3):
    return pl.pallas_call(
        _cls_body,
        out_shape=jax.ShapeDtypeStruct((N, 1), jnp.float32),
        scratch_shapes=[pltpu.VMEM((N, D), jnp.float32)],
    )(x_flat, w1, b1.reshape(1, D), g1.reshape(1, D), be1.reshape(1, D),
      w2, b2.reshape(1, D), g2.reshape(1, D), be2.reshape(1, D),
      w3.reshape(1, D), b3.reshape(1, 1))



def kernel(x, edge_index, params):
    src = edge_index[0].astype(jnp.int32)
    dst = edge_index[1].astype(jnp.int32)

    bucket = dst // NPB
    onehot = (bucket[:, None] == jnp.arange(NS, dtype=jnp.int32)[None, :]).astype(jnp.int32)
    rank = jnp.sum(jnp.cumsum(onehot, axis=0) * onehot, axis=1) - 1
    pos = jnp.where(rank < P, bucket * P + rank, NS * P)
    fill = ((jnp.arange(NS * P, dtype=jnp.int32) * 7919) % N) * 16384 + TRASH
    packed = fill.at[pos].set(src * 16384 + dst, unique_indices=True,
                              mode="drop")

    x_flat = jnp.concatenate([x[:, :H], x[:, H:]], axis=0)
    zeros = jnp.zeros((N, H), jnp.float32)

    for i in range(3):
        agg_flat = _sc_scatter(x_flat, packed, zeros)
        h1 = _tc_mm1(x_flat, agg_flat, params[f"conv{i}_W1"],
                     params[f"conv{i}_b1"], params[f"conv{i}_eps"])
        x_flat = _tc_bn_mm2(h1, params[f"conv{i}_g1"], params[f"conv{i}_be1"],
                            params[f"conv{i}_W2"], params[f"conv{i}_b2"],
                            params.get(f"bn{i}_g", params[f"conv{i}_g1"]),
                            params.get(f"bn{i}_b", params[f"conv{i}_be1"]),
                            do_bn2=(i != 2))

    out = _tc_cls(x_flat, params["cls_W1"], params["cls_b1"],
                  params["cls_g1"], params["cls_be1"],
                  params["cls_W2"], params["cls_b2"],
                  params["cls_g2"], params["cls_be2"],
                  params["cls_W3"], params["cls_b3"])
    return out.reshape(-1)

# --- scband reference (transcript-rebuilt; emitter-appended) ---
"""Pipeline reference for scband-m1-74466142978428 (READ-ONLY COPY).

The authoritative reference and input builder live on the scoring server;
editing this copy changes nothing except your own understanding.
"""

import jax, jax.numpy as jnp
import numpy as np

N_NODES = 10000
N_EDGES = 160000
D_IN = 256
D_CONV = 256
D_MLP = 256
N_LAYERS = 3


def _bn(h, g, b):
    mu = jnp.mean(h, axis=0)
    var = jnp.var(h, axis=0)
    return (h - mu) / jnp.sqrt(var + 1e-5) * g + b


def _init_params(key):
    params = {}
    in_c = D_IN
    k = key
    for i in range(N_LAYERS):
        k, k1, k2 = jax.random.split(k, 3)
        params[f'conv{i}_W1'] = jax.random.normal(k1, (in_c, D_CONV), dtype=jnp.float32) * (1.0 / np.sqrt(in_c))
        params[f'conv{i}_b1'] = jnp.zeros((D_CONV,), jnp.float32)
        params[f'conv{i}_g1'] = jnp.ones((D_CONV,), jnp.float32)
        params[f'conv{i}_be1'] = jnp.zeros((D_CONV,), jnp.float32)
        params[f'conv{i}_W2'] = jax.random.normal(k2, (D_CONV, D_CONV), dtype=jnp.float32) * (1.0 / np.sqrt(D_CONV))
        params[f'conv{i}_b2'] = jnp.zeros((D_CONV,), jnp.float32)
        params[f'conv{i}_eps'] = jnp.zeros((), jnp.float32)
        params[f'bn{i}_g'] = jnp.ones((D_CONV,), jnp.float32)
        params[f'bn{i}_b'] = jnp.zeros((D_CONV,), jnp.float32)
        in_c = D_CONV
    k, k1, k2, k3 = jax.random.split(k, 4)
    params['cls_W1'] = jax.random.normal(k1, (in_c, D_MLP), dtype=jnp.float32) * (1.0 / np.sqrt(in_c))
    params['cls_b1'] = jnp.zeros((D_MLP,), jnp.float32)
    params['cls_g1'] = jnp.ones((D_MLP,), jnp.float32)
    params['cls_be1'] = jnp.zeros((D_MLP,), jnp.float32)
    params['cls_W2'] = jax.random.normal(k2, (D_MLP, D_MLP), dtype=jnp.float32) * (1.0 / np.sqrt(D_MLP))
    params['cls_b2'] = jnp.zeros((D_MLP,), jnp.float32)
    params['cls_g2'] = jnp.ones((D_MLP,), jnp.float32)
    params['cls_be2'] = jnp.zeros((D_MLP,), jnp.float32)
    params['cls_W3'] = jax.random.normal(k3, (D_MLP, 1), dtype=jnp.float32) * (1.0 / np.sqrt(D_MLP))
    params['cls_b3'] = jnp.zeros((1,), jnp.float32)
    return params


def setup_inputs(seed: int = 0) -> dict:
    key = jax.random.key(seed)
    kx, ke, kp = jax.random.split(key, 3)
    x = jax.random.normal(kx, (N_NODES, D_IN), dtype=jnp.float32)
    edge_index = jax.random.randint(ke, (2, N_EDGES), 0, N_NODES, dtype=jnp.int64 if jax.config.read('jax_enable_x64') else jnp.int32).astype(jnp.int32)
    params = _init_params(kp)
    return {'x': x, 'edge_index': edge_index, 'params': params}


def reference(x, edge_index, params):
    src = edge_index[0]
    dst = edge_index[1]
    for i in range(N_LAYERS):
        # GINConv: nn((1+eps)*x + sum_{j in N(i)} x_j)
        agg = jnp.zeros_like(x).at[dst].add(x[src])
        h = (1.0 + params[f'conv{i}_eps']) * x + agg
        h = h @ params[f'conv{i}_W1'] + params[f'conv{i}_b1']
        h = _bn(h, params[f'conv{i}_g1'], params[f'conv{i}_be1'])
        h = jax.nn.leaky_relu(h, negative_slope=0.01)
        h = h @ params[f'conv{i}_W2'] + params[f'conv{i}_b2']
        x = h
        if i != N_LAYERS - 1:
            x = _bn(x, params[f'bn{i}_g'], params[f'bn{i}_b'])
        x = jax.nn.leaky_relu(x, negative_slope=0.01)
    h = x @ params['cls_W1'] + params['cls_b1']
    h = _bn(h, params['cls_g1'], params['cls_be1'])
    h = jax.nn.leaky_relu(h, negative_slope=0.01)
    # dropout p=0.2 treated as identity (eval mode)
    h = h @ params['cls_W2'] + params['cls_b2']
    h = _bn(h, params['cls_g2'], params['cls_be2'])
    h = jax.nn.leaky_relu(h, negative_slope=0.01)
    h = h @ params['cls_W3'] + params['cls_b3']
    return h.reshape(-1)

if __name__ == "__main__":
    import jax
    _d = setup_inputs()
    print(jax.jit(kernel)(*tuple(_d.values())))

</pallas_src>

<mosaic_0001>
#map = affine_map<(d0, d1) -> (0, 0)>
#map1 = affine_map<(d0, d1) -> (0)>
module attributes {stable_mosaic.version = 14 : i64} {
  func.func @_sc_scatter_body(%arg0: i32, %arg1: i32, %arg2: memref<20000x128xf32, #tpu.memory_space<hbm>>, %arg3: memref<172800xi32, #tpu.memory_space<hbm>>, %arg4: memref<10000x128xf32, #tpu.memory_space<hbm>>, %arg5: memref<20000x128xf32, #tpu.memory_space<hbm>>, %arg6: memref<80xi32, #tpu.memory_space<vmem>>, %arg7: memref<80xi32, #tpu.memory_space<vmem>>, %arg8: memref<80xi32, #tpu.memory_space<vmem>>, %arg9: memref<80x128xf32, #tpu.memory_space<vmem>>, %arg10: memref<10016x128xf32, #tpu.memory_space<vmem_shared>>, %arg11: memref<!tpu.dma_semaphore, #tpu.memory_space<semaphore_mem>>) attributes {dimension_semantics = [#tpu.dimension_semantics<core_parallel>, #tpu.dimension_semantics<subcore_parallel>], iteration_bounds = array<i64: 2, 16>, scalar_prefetch = 0 : i64, scratch_operands = 6 : i64, tpu.core_type = #tpu.core_type<sc_vector_subcore>, window_params = [{transform_indices = #map}, {transform_indices = #map1}, {transform_indices = #map}, {transform_indices = #map}]} {
    %mul3A = arith.constant 624 : i32
    %mul3A_0 = arith.muli %arg1, %mul3A : i32
    %mul3A_1 = arith.constant 624 : i32
    %mul3A_2 = arith.muli %arg1, %mul3A_1 : i32
    "tpu.region"() ({
      %run_scoped3A = tpu.sem_alloc : memref<!tpu.dma_semaphore, #tpu.memory_space<semaphore_mem>>
      %dma_start3A = arith.constant 0 : i32
      %dma_start3A_25 = tpu.memref_slice %arg10[%mul3A_2, %dma_start3A] : memref<10016x128xf32, #tpu.memory_space<vmem_shared>> -> memref<624x128xf32, #tpu.memory_space<vmem_shared>>
      %dma_start3A_26 = arith.constant 0 : i32
      %dma_start3A_27 = tpu.memref_slice %arg4[%mul3A_0, %dma_start3A_26] : memref<10000x128xf32, #tpu.memory_space<hbm>> -> memref<624x128xf32, #tpu.memory_space<hbm>>
      tpu.enqueue_dma source(%dma_start3A_27 : memref<624x128xf32, #tpu.memory_space<hbm>>) target(%dma_start3A_25 : memref<624x128xf32, #tpu.memory_space<vmem_shared>>) target_semaphore(%run_scoped3A : memref<!tpu.dma_semaphore, #tpu.memory_space<semaphore_mem>>)
      %dma_wait3A = arith.constant 0 : i32
      %dma_wait3A_28 = tpu.memref_slice %arg10[%mul3A_2, %dma_wait3A] : memref<10016x128xf32, #tpu.memory_space<vmem_shared>> -> memref<624x128xf32, #tpu.memory_space<vmem_shared>>
      %dma_wait3A_29 = arith.constant 0 : i32
      %dma_wait3A_30 = tpu.memref_slice %arg4[%mul3A_0, %dma_wait3A_29] : memref<10000x128xf32, #tpu.memory_space<hbm>> -> memref<624x128xf32, #tpu.memory_space<hbm>>
      tpu.wait_dma2 semaphore(%run_scoped3A : memref<!tpu.dma_semaphore, #tpu.memory_space<semaphore_mem>>) src(%dma_wait3A_30 : memref<624x128xf32, #tpu.memory_space<hbm>>) dst(%dma_wait3A_28 : memref<624x128xf32, #tpu.memory_space<vmem_shared>>)
      tpu.yield
    }) : () -> ()
    %lt3A = arith.constant 2 : i32
    %lt3A_3 = arith.cmpi slt, %arg1, %lt3A : i32
    %convert_element_type3A = arith.extui %lt3A_3 : i1 to i32
    %cond3A = arith.constant 0 : i32
    %cond3A_4 = arith.cmpi ne, %convert_element_type3A, %cond3A : i32
    scf.if %cond3A_4 {
      %mul3A_25 = arith.constant 8 : i32
      %mul3A_26 = arith.muli %arg1, %mul3A_25 : i32
      %add3A_27 = arith.constant 9984 : i32
      %add3A_28 = arith.addi %add3A_27, %mul3A_26 : i32
      %mul3A_29 = arith.constant 8 : i32
      %mul3A_30 = arith.muli %arg1, %mul3A_29 : i32
      %add3A_31 = arith.constant 9984 : i32
      %add3A_32 = arith.addi %add3A_31, %mul3A_30 : i32
      "tpu.region"() ({
        %run_scoped3A = tpu.sem_alloc : memref<!tpu.dma_semaphore, #tpu.memory_space<semaphore_mem>>
        %dma_start3A = arith.constant 0 : i32
        %dma_start3A_33 = tpu.memref_slice %arg10[%add3A_32, %dma_start3A] : memref<10016x128xf32, #tpu.memory_space<vmem_shared>> -> memref<8x128xf32, #tpu.memory_space<vmem_shared>>
        %dma_start3A_34 = arith.constant 0 : i32
        %dma_start3A_35 = tpu.memref_slice %arg4[%add3A_28, %dma_start3A_34] : memref<10000x128xf32, #tpu.memory_space<hbm>> -> memref<8x128xf32, #tpu.memory_space<hbm>>
        tpu.enqueue_dma source(%dma_start3A_35 : memref<8x128xf32, #tpu.memory_space<hbm>>) target(%dma_start3A_33 : memref<8x128xf32, #tpu.memory_space<vmem_shared>>) target_semaphore(%run_scoped3A : memref<!tpu.dma_semaphore, #tpu.memory_space<semaphore_mem>>)
        %dma_wait3A = arith.constant 0 : i32
        %dma_wait3A_36 = tpu.memref_slice %arg10[%add3A_32, %dma_wait3A] : memref<10016x128xf32, #tpu.memory_space<vmem_shared>> -> memref<8x128xf32, #tpu.memory_space<vmem_shared>>
        %dma_wait3A_37 = arith.constant 0 : i32
        %dma_wait3A_38 = tpu.memref_slice %arg4[%add3A_28, %dma_wait3A_37] : memref<10000x128xf32, #tpu.memory_space<hbm>> -> memref<8x128xf32, #tpu.memory_space<hbm>>
        tpu.wait_dma2 semaphore(%run_scoped3A : memref<!tpu.dma_semaphore, #tpu.memory_space<semaphore_mem>>) src(%dma_wait3A_38 : memref<8x128xf32, #tpu.memory_space<hbm>>) dst(%dma_wait3A_36 : memref<8x128xf32, #tpu.memory_space<vmem_shared>>)
        tpu.yield
      }) : () -> ()
    } else {
    }
    %barrier3A = arith.constant 0 : index
    tpu.barrier barrier_id(%barrier3A)
    %mul3A_5 = arith.constant 10800 : i32
    %mul3A_6 = arith.muli %arg1, %mul3A_5 : i32
    %mul3A_7 = arith.constant 10000 : i32
    %mul3A_8 = arith.muli %arg0, %mul3A_7 : i32
    %scan3A = arith.constant 0 : i32
    %scan3A_9 = arith.constant 135 : i32
    %scan3A_10 = arith.addi %scan3A, %scan3A_9 : i32
    %scan3A_11 = arith.constant 1 : i32
    scf.for %scan3A_25 = %scan3A to %scan3A_10 step %scan3A_11  : i32 {
      %mul3A_26 = arith.constant 1 : i32
      %mul3A_27 = arith.muli %scan3A_25, %mul3A_26 : i32
      %add3A_28 = arith.constant 0 : i32
      %add3A_29 = arith.addi %add3A_28, %mul3A_27 : i32
      %mul3A_30 = arith.constant 80 : i32
      %mul3A_31 = arith.muli %add3A_29, %mul3A_30 : i32
      %add3A_32 = arith.addi %mul3A_6, %mul3A_31 : i32
      "tpu.region"() ({
        %run_scoped3A = tpu.sem_alloc : memref<!tpu.dma_semaphore, #tpu.memory_space<semaphore_mem>>
        %dma_start3A_128 = tpu.memref_slice %arg3[%add3A_32] : memref<172800xi32, #tpu.memory_space<hbm>> -> memref<80xi32, #tpu.memory_space<hbm>>
        %dma_start3A_129 = tpu.memref_slice %arg3[%add3A_32] : memref<172800xi32, #tpu.memory_space<hbm>> -> memref<80xi32, #tpu.memory_space<hbm>>
        tpu.enqueue_dma source(%dma_start3A_129 : memref<80xi32, #tpu.memory_space<hbm>>) target(%arg6 : memref<80xi32, #tpu.memory_space<vmem>>) target_semaphore(%run_scoped3A : memref<!tpu.dma_semaphore, #tpu.memory_space<semaphore_mem>>)
        %dma_wait3A_130 = tpu.memref_slice %arg3[%add3A_32] : memref<172800xi32, #tpu.memory_space<hbm>> -> memref<80xi32, #tpu.memory_space<hbm>>
        %dma_wait3A_131 = tpu.memref_slice %arg3[%add3A_32] : memref<172800xi32, #tpu.memory_space<hbm>> -> memref<80xi32, #tpu.memory_space<hbm>>
        tpu.wait_dma2 semaphore(%run_scoped3A : memref<!tpu.dma_semaphore, #tpu.memory_space<semaphore_mem>>) src(%dma_wait3A_131 : memref<80xi32, #tpu.memory_space<hbm>>) dst(%arg6 : memref<80xi32, #tpu.memory_space<vmem>>)
        tpu.yield
      }) : () -> ()
      %get3A = arith.constant 0 : index
      %get3A_33 = tpu.vector_load %arg6[%get3A] {strides = array<i32>} : memref<80xi32, #tpu.memory_space<vmem>>, vector<16xi32>,
      %get3A_34 = vector.shape_cast %get3A_33 : vector<16xi32> to vector<16xi32>
      %shift_right_arithmetic3A = arith.constant 14 : i32
      %shift_right_arithmetic3A_35 = vector.broadcast %shift_right_arithmetic3A : i32 to vector<16xi32>
      %shift_right_arithmetic3A_36 = arith.shrsi %get3A_34, %shift_right_arithmetic3A_35 : vector<16xi32>
      %add3A_37 = vector.broadcast %mul3A_8 : i32 to vector<16xi32>
      %add3A_38 = arith.addi %shift_right_arithmetic3A_36, %add3A_37 : vector<16xi32>
      %swap3A = arith.constant 0 : index
      %swap3A_39 = tpu.vector_load %arg7[%swap3A] {strides = array<i32>} : memref<80xi32, #tpu.memory_space<vmem>>, vector<16xi32>,
      %swap3A_40 = vector.shape_cast %swap3A_39 : vector<16xi32> to vector<16xi32>
      %swap3A_41 = vector.shape_cast %add3A_38 : vector<16xi32> to vector<16xi32>
      tpu.vector_store %arg7[%swap3A], %swap3A_41 {strides = array<i32>} : memref<80xi32, #tpu.memory_space<vmem>>, vector<16xi32>,
      %and3A = arith.constant 16383 : i32
      %and3A_42 = vector.broadcast %and3A : i32 to vector<16xi32>
      %and3A_43 = arith.andi %get3A_34, %and3A_42 : vector<16xi32>
      %swap3A_44 = arith.constant 0 : index
      %swap3A_45 = tpu.vector_load %arg8[%swap3A_44] {strides = array<i32>} : memref<80xi32, #tpu.memory_space<vmem>>, vector<16xi32>,
      %swap3A_46 = vector.shape_cast %swap3A_45 : vector<16xi32> to vector<16xi32>
      %swap3A_47 = vector.shape_cast %and3A_43 : vector<16xi32> to vector<16xi32>
      tpu.vector_store %arg8[%swap3A_44], %swap3A_47 {strides = array<i32>} : memref<80xi32, #tpu.memory_space<vmem>>, vector<16xi32>,
      %get3A_48 = arith.constant 16 : index
      %get3A_49 = tpu.vector_load %arg6[%get3A_48] {strides = array<i32>} : memref<80xi32, #tpu.memory_space<vmem>>, vector<16xi32>,
      %get3A_50 = vector.shape_cast %get3A_49 : vector<16xi32> to vector<16xi32>
      %shift_right_arithmetic3A_51 = arith.constant 14 : i32
      %shift_right_arithmetic3A_52 = vector.broadcast %shift_right_arithmetic3A_51 : i32 to vector<16xi32>
      %shift_right_arithmetic3A_53 = arith.shrsi %get3A_50, %shift_right_arithmetic3A_52 : vector<16xi32>
      %add3A_54 = vector.broadcast %mul3A_8 : i32 to vector<16xi32>
      %add3A_55 = arith.addi %shift_right_arithmetic3A_53, %add3A_54 : vector<16xi32>
      %swap3A_56 = arith.constant 16 : index
      %swap3A_57 = tpu.vector_load %arg7[%swap3A_56] {strides = array<i32>} : memref<80xi32, #tpu.memory_space<vmem>>, vector<16xi32>,
      %swap3A_58 = vector.shape_cast %swap3A_57 : vector<16xi32> to vector<16xi32>
      %swap3A_59 = vector.shape_cast %add3A_55 : vector<16xi32> to vector<16xi32>
      tpu.vector_store %arg7[%swap3A_56], %swap3A_59 {strides = array<i32>} : memref<80xi32, #tpu.memory_space<vmem>>, vector<16xi32>,
      %and3A_60 = arith.constant 16383 : i32
      %and3A_61 = vector.broadcast %and3A_60 : i32 to vector<16xi32>
      %and3A_62 = arith.andi %get3A_50, %and3A_61 : vector<16xi32>
      %swap3A_63 = arith.constant 16 : index
      %swap3A_64 = tpu.vector_load %arg8[%swap3A_63] {strides = array<i32>} : memref<80xi32, #tpu.memory_space<vmem>>, vector<16xi32>,
      %swap3A_65 = vector.shape_cast %swap3A_64 : vector<16xi32> to vector<16xi32>
      %swap3A_66 = vector.shape_cast %and3A_62 : vector<16xi32> to vector<16xi32>
      tpu.vector_store %arg8[%swap3A_63], %swap3A_66 {strides = array<i32>} : memref<80xi32, #tpu.memory_space<vmem>>, vector<16xi32>,
      %get3A_67 = arith.constant 32 : index
      %get3A_68 = tpu.vector_load %arg6[%get3A_67] {strides = array<i32>} : memref<80xi32, #tpu.memory_space<vmem>>, vector<16xi32>,
      %get3A_69 = vector.shape_cast %get3A_68 : vector<16xi32> to vector<16xi32>
      %shift_right_arithmetic3A_70 = arith.constant 14 : i32
      %shift_right_arithmetic3A_71 = vector.broadcast %shift_right_arithmetic3A_70 : i32 to vector<16xi32>
      %shift_right_arithmetic3A_72 = arith.shrsi %get3A_69, %shift_right_arithmetic3A_71 : vector<16xi32>
      %add3A_73 = vector.broadcast %mul3A_8 : i32 to vector<16xi32>
      %add3A_74 = arith.addi %shift_right_arithmetic3A_72, %add3A_73 : vector<16xi32>
      %swap3A_75 = arith.constant 32 : index
      %swap3A_76 = tpu.vector_load %arg7[%swap3A_75] {strides = array<i32>} : memref<80xi32, #tpu.memory_space<vmem>>, vector<16xi32>,
      %swap3A_77 = vector.shape_cast %swap3A_76 : vector<16xi32> to vector<16xi32>
      %swap3A_78 = vector.shape_cast %add3A_74 : vector<16xi32> to vector<16xi32>
      tpu.vector_store %arg7[%swap3A_75], %swap3A_78 {strides = array<i32>} : memref<80xi32, #tpu.memory_space<vmem>>, vector<16xi32>,
      %and3A_79 = arith.constant 16383 : i32
      %and3A_80 = vector.broadcast %and3A_79 : i32 to vector<16xi32>
      %and3A_81 = arith.andi %get3A_69, %and3A_80 : vector<16xi32>
      %swap3A_82 = arith.constant 32 : index
      %swap3A_83 = tpu.vector_load %arg8[%swap3A_82] {strides = array<i32>} : memref<80xi32, #tpu.memory_space<vmem>>, vector<16xi32>,
      %swap3A_84 = vector.shape_cast %swap3A_83 : vector<16xi32> to vector<16xi32>
      %swap3A_85 = vector.shape_cast %and3A_81 : vector<16xi32> to vector<16xi32>
      tpu.vector_store %arg8[%swap3A_82], %swap3A_85 {strides = array<i32>} : memref<80xi32, #tpu.memory_space<vmem>>, vector<16xi32>,
      %get3A_86 = arith.constant 48 : index
      %get3A_87 = tpu.vector_load %arg6[%get3A_86] {strides = array<i32>} : memref<80xi32, #tpu.memory_space<vmem>>, vector<16xi32>,
      %get3A_88 = vector.shape_cast %get3A_87 : vector<16xi32> to vector<16xi32>
      %shift_right_arithmetic3A_89 = arith.constant 14 : i32
      %shift_right_arithmetic3A_90 = vector.broadcast %shift_right_arithmetic3A_89 : i32 to vector<16xi32>
      %shift_right_arithmetic3A_91 = arith.shrsi %get3A_88, %shift_right_arithmetic3A_90 : vector<16xi32>
      %add3A_92 = vector.broadcast %mul3A_8 : i32 to vector<16xi32>
      %add3A_93 = arith.addi %shift_right_arithmetic3A_91, %add3A_92 : vector<16xi32>
      %swap3A_94 = arith.constant 48 : index
      %swap3A_95 = tpu.vector_load %arg7[%swap3A_94] {strides = array<i32>} : memref<80xi32, #tpu.memory_space<vmem>>, vector<16xi32>,
      %swap3A_96 = vector.shape_cast %swap3A_95 : vector<16xi32> to vector<16xi32>
      %swap3A_97 = vector.shape_cast %add3A_93 : vector<16xi32> to vector<16xi32>
      tpu.vector_store %arg7[%swap3A_94], %swap3A_97 {strides = array<i32>} : memref<80xi32, #tpu.memory_space<vmem>>, vector<16xi32>,
      %and3A_98 = arith.constant 16383 : i32
      %and3A_99 = vector.broadcast %and3A_98 : i32 to vector<16xi32>
      %and3A_100 = arith.andi %get3A_88, %and3A_99 : vector<16xi32>
      %swap3A_101 = arith.constant 48 : index
      %swap3A_102 = tpu.vector_load %arg8[%swap3A_101] {strides = array<i32>} : memref<80xi32, #tpu.memory_space<vmem>>, vector<16xi32>,
      %swap3A_103 = vector.shape_cast %swap3A_102 : vector<16xi32> to vector<16xi32>
      %swap3A_104 = vector.shape_cast %and3A_100 : vector<16xi32> to vector<16xi32>
      tpu.vector_store %arg8[%swap3A_101], %swap3A_104 {strides = array<i32>} : memref<80xi32, #tpu.memory_space<vmem>>, vector<16xi32>,
      %get3A_105 = arith.constant 64 : index
      %get3A_106 = tpu.vector_load %arg6[%get3A_105] {strides = array<i32>} : memref<80xi32, #tpu.memory_space<vmem>>, vector<16xi32>,
      %get3A_107 = vector.shape_cast %get3A_106 : vector<16xi32> to vector<16xi32>
      %shift_right_arithmetic3A_108 = arith.constant 14 : i32
      %shift_right_arithmetic3A_109 = vector.broadcast %shift_right_arithmetic3A_108 : i32 to vector<16xi32>
      %shift_right_arithmetic3A_110 = arith.shrsi %get3A_107, %shift_right_arithmetic3A_109 : vector<16xi32>
      %add3A_111 = vector.broadcast %mul3A_8 : i32 to vector<16xi32>
      %add3A_112 = arith.addi %shift_right_arithmetic3A_110, %add3A_111 : vector<16xi32>
      %swap3A_113 = arith.constant 64 : index
      %swap3A_114 = tpu.vector_load %arg7[%swap3A_113] {strides = array<i32>} : memref<80xi32, #tpu.memory_space<vmem>>, vector<16xi32>,
      %swap3A_115 = vector.shape_cast %swap3A_114 : vector<16xi32> to vector<16xi32>
      %swap3A_116 = vector.shape_cast %add3A_112 : vector<16xi32> to vector<16xi32>
      tpu.vector_store %arg7[%swap3A_113], %swap3A_116 {strides = array<i32>} : memref<80xi32, #tpu.memory_space<vmem>>, vector<16xi32>,
      %and3A_117 = arith.constant 16383 : i32
      %and3A_118 = vector.broadcast %and3A_117 : i32 to vector<16xi32>
      %and3A_119 = arith.andi %get3A_107, %and3A_118 : vector<16xi32>
      %swap3A_120 = arith.constant 64 : index
      %swap3A_121 = tpu.vector_load %arg8[%swap3A_120] {strides = array<i32>} : memref<80xi32, #tpu.memory_space<vmem>>, vector<16xi32>,
      %swap3A_122 = vector.shape_cast %swap3A_121 : vector<16xi32> to vector<16xi32>
      %swap3A_123 = vector.shape_cast %and3A_119 : vector<16xi32> to vector<16xi32>
      tpu.vector_store %arg8[%swap3A_120], %swap3A_123 {strides = array<i32>} : memref<80xi32, #tpu.memory_space<vmem>>, vector<16xi32>,
      %dma_start3A = arith.constant 0 : i32
      %dma_start3A_124 = arith.constant 0 : i32
      %dma_start3A_125 = tpu.memref_slice %arg2[%dma_start3A, %dma_start3A_124] : memref<20000x128xf32, #tpu.memory_space<hbm>> -> memref<20000x128xf32, #tpu.memory_space<hbm>>
      tpu.enqueue_indirect_dma source(%dma_start3A_125 : memref<20000x128xf32, #tpu.memory_space<hbm>>) target(%arg9 : memref<80x128xf32, #tpu.memory_space<vmem>>) offsets(%arg7 : memref<80xi32, #tpu.memory_space<vmem>>) semaphore(%arg11 : memref<!tpu.dma_semaphore, #tpu.memory_space<semaphore_mem>>)
      %dma_wait3A = arith.constant 0 : i32
      %dma_wait3A_126 = arith.constant 0 : i32
      %dma_wait3A_127 = tpu.memref_slice %arg2[%dma_wait3A, %dma_wait3A_126] : memref<20000x128xf32, #tpu.memory_space<hbm>> -> memref<20000x128xf32, #tpu.memory_space<hbm>>
      tpu.wait_indirect_dma semaphore(%arg11 : memref<!tpu.dma_semaphore, #tpu.memory_space<semaphore_mem>>) src(%dma_wait3A_127 : memref<20000x128xf32, #tpu.memory_space<hbm>>) dst(%arg9 : memref<80x128xf32, #tpu.memory_space<vmem>>)
      "tpu.region"() ({
        %run_scoped3A = tpu.sem_alloc : memref<!tpu.dma_semaphore, #tpu.memory_space<semaphore_mem>>
        %dma_start3A_128 = arith.constant 0 : i32
        %dma_start3A_129 = arith.constant 0 : i32
        %dma_start3A_130 = tpu.memref_slice %arg10[%dma_start3A_128, %dma_start3A_129] : memref<10016x128xf32, #tpu.memory_space<vmem_shared>> -> memref<10016x128xf32, #tpu.memory_space<vmem_shared>>
        tpu.enqueue_indirect_dma source(%arg9 : memref<80x128xf32, #tpu.memory_space<vmem>>) target(%dma_start3A_130 : memref<10016x128xf32, #tpu.memory_space<vmem_shared>>) offsets(%arg8 : memref<80xi32, #tpu.memory_space<vmem>>) semaphore(%run_scoped3A : memref<!tpu.dma_semaphore, #tpu.memory_space<semaphore_mem>>) {add = true}
        %dma_wait3A_131 = arith.constant 0 : i32
        %dma_wait3A_132 = arith.constant 0 : i32
        %dma_wait3A_133 = tpu.memref_slice %arg10[%dma_wait3A_131, %dma_wait3A_132] : memref<10016x128xf32, #tpu.memory_space<vmem_shared>> -> memref<10016x128xf32, #tpu.memory_space<vmem_shared>>
        tpu.wait_indirect_dma semaphore(%run_scoped3A : memref<!tpu.dma_semaphore, #tpu.memory_space<semaphore_mem>>) src(%arg9 : memref<80x128xf32, #tpu.memory_space<vmem>>) dst(%dma_wait3A_133 : memref<10016x128xf32, #tpu.memory_space<vmem_shared>>)
        tpu.yield
      }) : () -> ()
    }
    %scan3A_12 = arith.constant 135 : i32
    %barrier3A_13 = arith.constant 0 : index
    tpu.barrier barrier_id(%barrier3A_13)
    %mul3A_14 = arith.constant 624 : i32
    %mul3A_15 = arith.muli %arg1, %mul3A_14 : i32
    %mul3A_16 = arith.constant 10000 : i32
    %mul3A_17 = arith.muli %arg0, %mul3A_16 : i32
    %mul3A_18 = arith.constant 624 : i32
    %mul3A_19 = arith.muli %arg1, %mul3A_18 : i32
    %add3A = arith.addi %mul3A_17, %mul3A_19 : i32
    "tpu.region"() ({
      %run_scoped3A = tpu.sem_alloc : memref<!tpu.dma_semaphore, #tpu.memory_space<semaphore_mem>>
      %dma_start3A = arith.constant 0 : i32
      %dma_start3A_25 = tpu.memref_slice %arg5[%add3A, %dma_start3A] : memref<20000x128xf32, #tpu.memory_space<hbm>> -> memref<624x128xf32, #tpu.memory_space<hbm>>
      %dma_start3A_26 = arith.constant 0 : i32
      %dma_start3A_27 = tpu.memref_slice %arg10[%mul3A_15, %dma_start3A_26] : memref<10016x128xf32, #tpu.memory_space<vmem_shared>> -> memref<624x128xf32, #tpu.memory_space<vmem_shared>>
      tpu.enqueue_dma source(%dma_start3A_27 : memref<624x128xf32, #tpu.memory_space<vmem_shared>>) target(%dma_start3A_25 : memref<624x128xf32, #tpu.memory_space<hbm>>) target_semaphore(%run_scoped3A : memref<!tpu.dma_semaphore, #tpu.memory_space<semaphore_mem>>)
      %dma_wait3A = arith.constant 0 : i32
      %dma_wait3A_28 = tpu.memref_slice %arg5[%add3A, %dma_wait3A] : memref<20000x128xf32, #tpu.memory_space<hbm>> -> memref<624x128xf32, #tpu.memory_space<hbm>>
      %dma_wait3A_29 = arith.constant 0 : i32
      %dma_wait3A_30 = tpu.memref_slice %arg10[%mul3A_15, %dma_wait3A_29] : memref<10016x128xf32, #tpu.memory_space<vmem_shared>> -> memref<624x128xf32, #tpu.memory_space<vmem_shared>>
      tpu.wait_dma2 semaphore(%run_scoped3A : memref<!tpu.dma_semaphore, #tpu.memory_space<semaphore_mem>>) src(%dma_wait3A_30 : memref<624x128xf32, #tpu.memory_space<vmem_shared>>) dst(%dma_wait3A_28 : memref<624x128xf32, #tpu.memory_space<hbm>>)
      tpu.yield
    }) : () -> ()
    %lt3A_20 = arith.constant 2 : i32
    %lt3A_21 = arith.cmpi slt, %arg1, %lt3A_20 : i32
    %convert_element_type3A_22 = arith.extui %lt3A_21 : i1 to i32
    %cond3A_23 = arith.constant 0 : i32
    %cond3A_24 = arith.cmpi ne, %convert_element_type3A_22, %cond3A_23 : i32
    scf.if %cond3A_24 {
      %mul3A_25 = arith.constant 8 : i32
      %mul3A_26 = arith.muli %arg1, %mul3A_25 : i32
      %add3A_27 = arith.constant 9984 : i32
      %add3A_28 = arith.addi %add3A_27, %mul3A_26 : i32
      %mul3A_29 = arith.constant 10000 : i32
      %mul3A_30 = arith.muli %arg0, %mul3A_29 : i32
      %add3A_31 = arith.constant 9984 : i32
      %add3A_32 = arith.addi %mul3A_30, %add3A_31 : i32
      %mul3A_33 = arith.constant 8 : i32
      %mul3A_34 = arith.muli %arg1, %mul3A_33 : i32
      %add3A_35 = arith.addi %add3A_32, %mul3A_34 : i32
      "tpu.region"() ({
        %run_scoped3A = tpu.sem_alloc : memref<!tpu.dma_semaphore, #tpu.memory_space<semaphore_mem>>
        %dma_start3A = arith.constant 0 : i32
        %dma_start3A_36 = tpu.memref_slice %arg5[%add3A_35, %dma_start3A] : memref<20000x128xf32, #tpu.memory_space<hbm>> -> memref<8x128xf32, #tpu.memory_space<hbm>>
        %dma_start3A_37 = arith.constant 0 : i32
        %dma_start3A_38 = tpu.memref_slice %arg10[%add3A_28, %dma_start3A_37] : memref<10016x128xf32, #tpu.memory_space<vmem_shared>> -> memref<8x128xf32, #tpu.memory_space<vmem_shared>>
        tpu.enqueue_dma source(%dma_start3A_38 : memref<8x128xf32, #tpu.memory_space<vmem_shared>>) target(%dma_start3A_36 : memref<8x128xf32, #tpu.memory_space<hbm>>) target_semaphore(%run_scoped3A : memref<!tpu.dma_semaphore, #tpu.memory_space<semaphore_mem>>)
        %dma_wait3A = arith.constant 0 : i32
        %dma_wait3A_39 = tpu.memref_slice %arg5[%add3A_35, %dma_wait3A] : memref<20000x128xf32, #tpu.memory_space<hbm>> -> memref<8x128xf32, #tpu.memory_space<hbm>>
        %dma_wait3A_40 = arith.constant 0 : i32
        %dma_wait3A_41 = tpu.memref_slice %arg10[%add3A_28, %dma_wait3A_40] : memref<10016x128xf32, #tpu.memory_space<vmem_shared>> -> memref<8x128xf32, #tpu.memory_space<vmem_shared>>
        tpu.wait_dma2 semaphore(%run_scoped3A : memref<!tpu.dma_semaphore, #tpu.memory_space<semaphore_mem>>) src(%dma_wait3A_41 : memref<8x128xf32, #tpu.memory_space<vmem_shared>>) dst(%dma_wait3A_39 : memref<8x128xf32, #tpu.memory_space<hbm>>)
        tpu.yield
      }) : () -> ()
    } else {
    }
    return
  }
}

</mosaic_0001>

<sc_bundles>
// kernel: _sc_scatter.3.cloned.1.call-start
scs
__scs_entry_jumppad:
0x0: {  	(pc) =	sbr.rel $0x88, $3  }
0x1: {  	(tag) =	ssettag $0x0;
	lr =	simm.s32 $0x1  }
0x2: {  	[smem:$0x3F9E] =	sst lr;
	_ =	strace $0xD0000000  }
0x3: {  	_ = 	snop  }
0x4: {  	_ = 	snop  }
0x5: {  	_ = 	snop  }
0x6: {  	_ = 	snop  }
0x7: {  	_ = 	snop  }
__scs_overlays_trampoline_lowered:
0x8: {  	[smem:$0x3FAD] =	sst s0  }
0x9: {  	[smem:$0x3FAE] =	sst s1  }
0xa: {  	[smem:$0x3FAF] =	sst s2  }
0xb: {  	[smem:$0x3FB0] =	sst s3  }
0xc: {  	[smem:$0x3FB1] =	sst s4  }
0xd: {  	[smem:$0x3FB2] =	sst s5  }
0xe: {  	[smem:$0x3FB3] =	sst s6  }
0xf: {  	[smem:$0x3FB4] =	sst s7  }
0x10: {  	[smem:$0x3FB5] =	sst s8  }
0x11: {  	[smem:$0x3FB6] =	sst s9;
	s0 =	simm.s32 @!p0 $0x0  }
0x12: {  	s1 =	sld [smem:$0x3F9C];
	s0 =	simm.s32 @p0 $0x1  }
0x13: {  	[smem:$0x3FB7] =	sst s0;
	s0 =	simm.s32 @!p1 $0x0  }
0x14: {  	s2 =	sld [smem:$0x3F9B];
	s0 =	simm.s32 @p1 $0x1  }
0x15: {  	[smem:$0x3FB8] =	sst s0;
	s0 =	simm.s32 @!p2 $0x0  }
0x16: {  	s3 =	sld [smem:$0x3FDB];
	s0 =	simm.s32 @p2 $0x1  }
0x17: {  	s4 =	simm.s32 $0x1BF5;
	[smem:$0x3FBA] =	sst s0  }
0x18: {  	s0 =	sld [smem:$0x3F9D];
	_ =	swait.ge [sflag:s4], $0x0  }
0x19: {  	s7 =	sld [smem:$0x3F9E]  }
0x1a: {  	s8 =	sadd.s32 $0xFFFFE003, lr  }
0x1b: {  	s9 =	sadd.s32 $0xFFFFFEF7, lr;
	s5 =	simm.s32 $0xFFFFFFFF;
	p2 =	slt.u32 s8, $0xFFFFF086  }
0x1c: {  	p1 =	slt.u32 s9, $0xF7A;
	s5 =	simm.s32 @!p2 $0x0  }
0x1d: {  	s5 =	simm.s32 @p1 $0x1;
	p0 =	seq.s32 s7, s2  }
0x1e: {  	s7 =	smul.u32 @!p0 $0xF7A, s2;
	p2 =	seq.s32 @!p0 s5, $0x0  }
0x1f: {  	s9 =	smul.u32 $0xF7A, s1;
	s8 =	simm.s32 @!p0 $0x1BF5;
	p2 =	por !p2, p0  }
0x20: {  	[sflag:s8] =	ssyncset.s32 @!p0 $0xFFFFF086;
	s6 =	sadd.s32 @!p0 s3, s7;
	s7 =	simm.s32 @!p0 $0x108  }
0x21: {  	s3 =	sadd.s32 s3, s9;
	s6 =	sadd.s32 @!p0 $0x88, s6;
	s7 =	simm.s32 @p2 $0x1082  }
0x22: {  	[simem:s7], [sflag:s8] =	dma.local @!p0 [hbm:s6], $0xF7A  }
0x23: {  	s9 =	sor.u32 $0xD0000000, s2;
	s6 =	simm.s32 $0x108;
	_ =	swait.ge @!p0 [sflag:s8], $0x0  }
0x24: {  	s3 =	sadd.s32 $0x88, s3;
	s6 =	simm.s32 @!p1 $0x1082;
	[sflag:s4] =	ssyncset.s32 $0xFFFFF086  }
0x25: {  	[simem:s6], [sflag:s4] =	dma.local [hbm:s3], $0xF7A  }
0x26: {  	[smem:$0x3F9E] =	sst s1;
	(tag) =	ssettag s2;
	_ =	strace s9  }
0x27: {  	s1 =	sld [smem:$0x3FAE]  }
0x28: {  	s2 =	sld [smem:$0x3FAF]  }
0x29: {  	s4 =	sld [smem:$0x3FB1]  }
0x2a: {  	p0 =	seq.s32 s5, $0x0;
	s5 =	sld [smem:$0x3FB2]  }
0x2b: {  	s6 =	sld [smem:$0x3FB3]  }
0x2c: {  	s7 =	sld [smem:$0x3FB4]  }
0x2d: {  	s3 =	simm.s32 $0x108;
	s8 =	sld [smem:$0x3FB5]  }
0x2e: {  	s3 =	simm.s32 @!p0 $0x1082;
	s9 =	sld [smem:$0x3FB6]  }
0x2f: {  	lr =	sadd.s32 s0, s3;
	s0 =	sld [smem:$0x3FAD]  }
0x30: {  	s3 =	sld [smem:$0x3FB0]  }
0x31: {  	[smem:$0x3FB9] =	sst s10  }
0x32: {  	s10 =	sld [smem:$0x3FB7];
	_ =	sdelay $0x3  }
0x33: {  	p0 =	seq.s32 s10, $0x1;
	s10 =	sld [smem:$0x3FB9];
	_ =	sdelay $0x3  }
0x34: {  	[smem:$0x3FB9] =	sst s10  }
0x35: {  	s10 =	sld [smem:$0x3FB8];
	_ =	sdelay $0x3  }
0x36: {  	p1 =	seq.s32 s10, $0x1;
	s10 =	sld [smem:$0x3FB9];
	_ =	sdelay $0x3  }
0x37: {  	[smem:$0x3FB9] =	sst s10  }
0x38: {  	s10 =	sld [smem:$0x3FBA]  }
0x39: {  	_ = 	snop;
	(pc) =	sbr.ind lr, $3  }
0x3a: {  	_ = 	snop  }
0x3b: {  	_ = 	snop  }
0x3c: {  	p2 =	seq.s32 s10, $0x1;
	s10 =	sld [smem:$0x3FB9]  }
0x3d: {  	_ =	shalt  }
0x3e: {  	_ =	shalt  }
0x3f: {  	_ =	shalt  }
0x40: {  	_ =	shalt  }
0x41: {  	_ =	shalt  }
0x42: {  	_ =	shalt  }
0x43: {  	_ =	shalt  }
0x44: {  	_ =	shalt  }
0x45: {  	_ =	shalt  }
0x46: {  	_ =	shalt  }
0x47: {  	_ =	shalt  }
0x48: {  	_ =	shalt  }
0x49: {  	_ =	shalt  }
0x4a: {  	_ =	shalt  }
0x4b: {  	_ =	shalt  }
0x4c: {  	_ =	shalt  }
0x4d: {  	_ =	shalt  }
0x4e: {  	_ =	shalt  }
0x4f: {  	_ =	shalt  }
0x50: {  	_ =	shalt  }
0x51: {  	_ =	shalt  }
0x52: {  	_ =	shalt  }
0x53: {  	_ =	shalt  }
0x54: {  	_ =	shalt  }
0x55: {  	_ =	shalt  }
0x56: {  	_ =	shalt  }
0x57: {  	_ =	shalt  }
0x58: {  	_ =	shalt  }
0x59: {  	_ =	shalt  }
0x5a: {  	_ =	shalt  }
0x5b: {  	_ =	shalt  }
0x5c: {  	_ =	shalt  }
0x5d: {  	_ =	shalt  }
0x5e: {  	_ =	shalt  }
0x5f: {  	_ =	shalt  }
0x60: {  	_ =	shalt  }
0x61: {  	_ =	shalt  }
0x62: {  	_ =	shalt  }
0x63: {  	_ =	shalt  }
0x64: {  	_ =	shalt  }
0x65: {  	_ =	shalt  }
0x66: {  	_ =	shalt  }
0x67: {  	_ =	shalt  }
0x68: {  	_ =	shalt  }
0x69: {  	_ =	shalt  }
0x6a: {  	_ =	shalt  }
0x6b: {  	_ =	shalt  }
0x6c: {  	_ =	shalt  }
0x6d: {  	_ =	shalt  }
0x6e: {  	_ =	shalt  }
0x6f: {  	_ =	shalt  }
0x70: {  	_ =	shalt  }
0x71: {  	_ =	shalt  }
0x72: {  	_ =	shalt  }
0x73: {  	_ =	shalt  }
0x74: {  	_ =	shalt  }
0x75: {  	_ =	shalt  }
0x76: {  	_ =	shalt  }
0x77: {  	_ =	shalt  }
0x78: {  	_ =	shalt  }
0x79: {  	_ =	shalt  }
0x7a: {  	_ =	shalt  }
0x7b: {  	_ =	shalt  }
0x7c: {  	_ =	shalt  }
0x7d: {  	_ =	shalt  }
0x7e: {  	_ =	shalt  }
0x7f: {  	_ =	shalt  }
0x80: {  	_ =	shalt  }
0x81: {  	_ =	shalt  }
0x82: {  	_ =	shalt  }
0x83: {  	_ =	shalt  }
0x84: {  	_ =	shalt  }
0x85: {  	_ =	shalt  }
0x86: {  	_ =	shalt  }
0x87: {  	_ =	shalt  }
.Lfunc_end0:
.L_simem_size_0:
called_computation_lowered:
.L_overlay_start_0:
0x88: {  	s2 =	sld [smem:$0x3FD9]  }
0x89: {  	s3 =	sld [smem:$0x3FFE];
	_ =	sdelay $0x1  }
0x8a: {  	s1 =	srdreg.scid  }
0x8b: {  	s0 =	sand.u32 $0x1, s1  }
0x8c: {  	s18 =	sshll.u32 s0, $0xA;
	s2 =	sadd.s32 s3, s2  }
0x8d: {  	s2 =	sadd.s32 s2, s18  }
0x8e: {  	[smem:$0x3FC5] =	sst s2  }
0x8f: {  	_ = 	snop  }
0x90: {  	s2 =	sld [smem:$0x3FC9]  }
0x91: {  	s19 =	sld [smem:$0x3FC8]  }
0x92: {  	s4 =	sld [smem:$0x3FC7]  }
0x93: {  	s5 =	sld [smem:$0x3FD0];
	(tm) =	ssettm $0x1  }
0x94: {  	s6 =	sld [smem:$0x3FFB];
	_ =	sdelay $0x3  }
0x95: {  	_ =	strace s6  }
0x96: {  	s6 =	sld [smem:$0x3FFC];
	_ =	sdelay $0x3  }
0x97: {  	_ =	strace s6  }
0x98: {  	s6 =	sld [smem:$0x3FFD];
	_ =	sdelay $0x3  }
0x99: {  	_ =	strace s6  }
0x9a: {  	_ =	strace $0x8FFFFFFF  }
0x9b: {  	s20 =	sld [smem:$0x3FDB];
	_ =	sdelay $0x1  }
0x9c: {  	s7 =	simm.s32 $_scs_section_size  }
0x9d: {  	s8 =	simm.s32 $_size__tile_overlayer_lowered;
	s9 =	simm.s32 $_tile_overlayer_lowered  }
0x9e: {  	s23 =	simm.s32 $0x1BFF;
	s22 =	sshll.u32 s9, $0x1;
	s6 =	sadd.s32 s7, s20  }
0x9f: {  	s10 =	simm.s32 $0x0;
	s21 =	sshll.u32 s8, $0x1;
	s8 =	sadd.s32 s22, s6  }
0xa0: {  	[timem:s10], [sflag:s23] =	dma.local [hbm:s8], s21  }
0xa1: {  	_ =	swait.ge [sflag:s23], s21  }
0xa2: {  	s7 =	ssub.s32 $0x0, s21;
	[sflag:s23] =	ssyncset.done $0x0  }
0xa3: {  	[sflag:s23] =	ssyncadd.s32 s7;
	_ =	sdelay $0x1  }
0xa4: {  	s24 =	simm.s32 $0x1B8B  }
0xa5: {  	_ =	swait.ge [sflag:s24], $0x1  }
0xa6: {  	[sflag:s24] =	ssyncset.done $0x0  }
0xa7: {  	s25 =	simm.s32 $0x1B8E;
	[sflag:s24] =	ssyncadd.s32 $0xFFFFFFFF  }
0xa8: {  	s26 =	simm.s32 $execute0_lowered;
	[smem:$0x3FD2] =	sst s25  }
0xa9: {  	s7 =	sshll.u32 s26, $0x1;
	_ =	strace $0x80000046;
	[dreg:$0x1] =	wrdreg $0xFFFFFFFF  }
0xaa: {  	s28 =	simm.s32 $_size_execute0_lowered;
	s6 =	sadd.s32 s6, s7;
	[dreg:$0x0] =	wrdreg $0x0  }
0xab: {  	s7 =	sshll.u32 s28, $0x1;
	[dreg:$0x2] =	wrdreg s6  }
0xac: {  	[dreg:$0x3] =	wrdreg s7  }
0xad: {  	[dreg:$0x4] =	wrdreg $0xC0  }
0xae: {  	_ =	task [dreg:s10], $0x5FFFF  }
0xaf: {  	[dreg:$0x1] =	wrdreg $0xFFFFFFFF  }
0xb0: {  	[dreg:$0x0] =	wrdreg $0x60  }
0xb1: {  	[dreg:$0x2] =	wrdreg s2  }
0xb2: {  	[dreg:$0x3] =	wrdreg s19  }
0xb3: {  	[dreg:$0x4] =	wrdreg s4  }
0xb4: {  	[dreg:$0x5] =	wrdreg s5  }
0xb5: {  	[dreg:$0x6] =	wrdreg $0x29800  }
0xb6: {  	[dreg:$0x7] =	wrdreg $0x9  }
0xb7: {  	_ =	task.clear_ibuf [dreg:s10], $0x8FFFF;
	_ =	strace $0x90000046  }
0xb8: {  	s29 =	simm.s32 $0x9;
	_ =	strace $0x80000048  }
0xb9: {  	_ =	swait.ge [sflag:s29], $0x1  }
0xba: {  	[sflag:s29] =	ssyncadd.s32 $0xFFFFFFFF  }
0xbb: {  	_ =	strace $0x90000048  }
0xbc: {  	_ =	sfence  }
0xbd: {  	s30 =	sld [smem:$0x0];
	_ =	sdelay $0x2  }
0xbe: {  	s31 =	sshll.u32 s1, $0xD;
	s1 =	sshrl.u32 s1, $0x2  }
0xbf: {  	s3 =	sand.u32 $0x4000, s31;
	s1 =	sadd.s32 s1, s30  }
0xc0: {  	s0 =	sor.u32 s3, s0;
	s1 =	sshll.u32 s1, $0x11  }
0xc1: {  	s0 =	sor.u32 s1, s0  }
0xc2: {  	s0 =	sadd.s32 $0x8F2B, s0  }
0xc3: {  	[sflag:s0] =	ssyncadd.remote.s32 $0x1  }
0xc4: {  	_ =	sfence.sel $0xFFFF  }
0xc5: {  	[dreg:$0x0] =	wrdreg $0xFFFFFFFF;
	(pc) =	sbr.abs _section_cstart, $3  }
0xc6: {  	[dreg:$0x1] =	wrdreg $0xFFFFFFFF  }
0xc7: {  	_ =	task.clear_ibuf [dreg:s10], $0x2FFFF;
	_ =	strace $0x9FFFFFFF  }
0xc8: {  	(tm) =	ssettm $0x7FFFFFFF  }
0xc9: {  	_ =	shalt  }
tec
execute0_lowered:
.L_overlay_start_1:
0x0: {  	(tag) =	ssettag $0x1  }
0x1: {  	s1 =	rddreg [dreg:$0x0]  }
0x2: {  	s11 =	rddreg [dreg:$0x1]  }
0x3: {  	s7 =	rddreg [dreg:$0x2]  }
0x4: {  	s9 =	rddreg [dreg:$0x3]  }
0x5: {  	s3 =	rddreg [dreg:$0x4]  }
0x6: {  	s0 =	rddreg [dreg:$0x5];
	s2 =	stileid.u32  }
0x7: {  	s5 =	srdreg.scid;
	s4 =	simm.s32 $0x0;
	s6 =	smul.u32 $0x4E000, s2  }
0x8: {  	s18 =	simm.s32 $0x1;
	s21 =	simm.s32 $0x0;
	s12 =	smul.u32 $0x2700, s2  }
0x9: {  	s8 =	sand.u32 $0x1, s5;
	[smem:$0x7FF] =	sst s4;
	s13 =	smul.u32 $0x270, s2  }
0xa: {  	s24 =	sshll.u32 s2, $0x3;
	s25 =	sshll.u32 s2, $0x6;
	s29 =	sshll.u32 s2, $0xA  }
0xb: {  	s31 =	smul.u32 $0x546, s2;
	p0 =	sgt.u32 s2, $0x1;
	s5 =	ssub.s32 $0x2, s8  }
0xc: {  	_ =	strace $0x80000047;
	s15 =	sor.u32 $0x2700, s24;
	s19 =	smul.u32 $0x2710, s8  }
0xd: {  	s8 =	smul.u32 $0x138800, s8;
	s10 =	sshrl.u32 s5, $0x1;
	s23 =	sshrl.u32 s6, $0x2  }
0xe: {  	s6 =	sor.u32 $0x1C02, s25;
	s26 =	sshll.u32 s15, $0x7;
	s15 =	sshll.u32 s15, $0x4  }
0xf: {  	s11 =	sadd.s32 s31, s11;
	s10 =	ssub.s32 s5, s10;
	s14 =	sadd.s32 s23, s3  }
0x10: {  	s5 =	sadd.s32 s7, s12;
	s16 =	sadd.s32 s26, s3;
	s28 =	sadd.s32 s13, s19  }
0x11: {  	s17 =	sadd.s32 s29, s8;
	s7 =	sadd.s32 s7, s15;
	s13 =	sadd.s32 s29, s3  }
0x12: {  	s15 =	simm.s32 $0x50;
	v0 =	vmov s19;
	s19 =	simm.s32 $0x100;
	s12 =	sshll.u32 s28, $0x4  }
0x13: {  	s30 =	sshrl.u32 s17, $0x3;
	s20 =	sadd.s32 $0x138000, s13;
	s10 =	smax.u32 s10, $0x1  }
0x14: {  	s13 =	simm.s32 $0x2;
	s17 =	simm.s32 $0x180;
	s8 =	sadd.s32 s9, s12  }
0x15: {  	s9 =	sadd.s32 s9, s30;
	s12 =	sshrl.u32 s14, $0x3;
	s14 =	sshrl.u32 @!p0 s16, $0x3  }
0x16: {  	s16 =	simm.s32 $0x80;
	s20 =	sshrl.u32 @!p0 s20, $0x3;
	s9 =	sadd.s32 $0x27000, s9  }
.LBB2_1:
0x17: {  	[spmem:s12], [sflag:s6] =	dma.local [hbm:s5], $0x2700  }
0x18: {  	_ =	swait.ge [sflag:s13], $0x2700  }
0x19: {  	[sflag:s13] =	ssyncset.done $0x0  }
0x1a: {  	s22 =	simm.s32 @!p0 $0x2;
	[sflag:s13] =	ssyncadd.s32 $0xFFFFD900  }
0x1b: {  	[spmem:s14], [sflag:s6] =	dma.local @!p0 [hbm:s7], $0x80  }
0x1c: {  	_ =	swait.ge @!p0 [sflag:s22], $0x80  }
0x1d: {  	[sflag:s22] =	ssyncset.done @!p0 $0x0  }
0x1e: {  	[sflag:s22] =	ssyncadd.s32 @!p0 $0xFFFFFF80  }
0x1f: {  	s31 =	sadd.s32 $0x0, s11;
	[bflag:$0x0] =	sbarrier.arrive $0xFFFF  }
0x20: {  	[tilespmem:s4], [sflag:$0x2] =	stream.linear.gather [hbm4b:s31+s4], $0x50, $0x38;
	[tilespmem:$0x16280] =	vst v63  }
0x21: {  	_ =	swait.ge [sflag:s13], $0x50  }
0x22: {  	[sflag:s13] =	ssyncset.done $0x0  }
0x23: {  	[sflag:s13] =	ssyncadd.s32 $0xFFFFFFB0  }
0x24: {  	v1 =	vld [tilespmem:$0x40]  }
0x25: {  	v2 =	vld [tilespmem:$0x20]  }
0x26: {  	v6 =	vld [tilespmem:$0x30];
	_ =	sdelay $0x2  }
0x27: {  	v3 =	vld [tilespmem:$0x10];
	v5 =	vand.u32 $0x3FFF, v1  }
0x28: {  	v4 =	vld [tilespmem:$0x0];
	v7 =	vand.u32 $0x3FFF, v2;
	[tilespmem:$0x140] =	vst v5  }
0x29: {  	v1 =	vshra.s32 v1, $0xE;
	v63 =	vand.u32 $0x3FFF, v6;
	[tilespmem:$0x120] =	vst v7  }
0x2a: {  	v2 =	vshra.s32 v2, $0xE;
	v1 =	vadd.s32 v0, v1;
	[tilespmem:$0x130] =	vst v63  }
0x2b: {  	v2 =	vadd.s32 v0, v2;
	[tilespmem:$0xC0] =	vst v1  }
0x2c: {  	v1 =	vand.u32 $0x3FFF, v3;
	[tilespmem:$0xA0] =	vst v2  }
0x2d: {  	v2 =	vand.u32 $0x3FFF, v4;
	[tilespmem:$0x110] =	vst v1;
	v1 =	vshra.s32 v4, $0xE  }
0x2e: {  	[tilespmem:$0x100] =	vst v2;
	v2 =	vshra.s32 v3, $0xE;
	v1 =	vadd.s32 v0, v1  }
0x2f: {  	v3 =	vshra.s32 v6, $0xE;
	v2 =	vadd.s32 v0, v2;
	[tilespmem:$0x80] =	vst v1  }
0x30: {  	s22 =	simm.s32 $0xA;
	v1 =	vadd.s32 v0, v3;
	[tilespmem:$0x90] =	vst v2  }
.LBB2_2:
0x31: {  	p1 =	sne.s32 s22, $0x53C;
	[tilespmem:$0xB0] =	vst v1;
	s23 =	smov.u32 s22;
	s22 =	sadd.s32 $0xA, s22  }
0x32: {  	[tilespmem:s17], [sflag:$0x1] =	stream.indirect.gather [hbm4b:s1+s15], $0x80, s16, s15, $0xb8;
	[tilespmem:$0x16280] =	vst v63  }
0x33: {  	_ =	swait.ge [sflag:s18], $0x2800  }
0x34: {  	[sflag:s18] =	ssyncset.done $0x0  }
0x35: {  	[sflag:s18] =	ssyncadd.s32 $0xFFFFD800  }
0x36: {  	[spmem:s3] =	stream.indirect.scatter.add.f32 [tilespmem:s17], [sflag:$0x2], $0x80, s19, s15, $0xb8;
	[tilespmem:$0x16280] =	vst v63  }
0x37: {  	_ =	swait.ge [sflag:s13], $0x2800  }
0x38: {  	[sflag:s13] =	ssyncset.done $0x0  }
0x39: {  	s23 =	sadd.s32 s23, s11;
	[sflag:s13] =	ssyncadd.s32 $0xFFFFD800  }
0x3a: {  	[tilespmem:s4], [sflag:$0x2] =	stream.linear.gather [hbm4b:s23+s4], $0x50, $0x38;
	[tilespmem:$0x16280] =	vst v63  }
0x3b: {  	_ =	swait.ge [sflag:s13], $0x50  }
0x3c: {  	[sflag:s13] =	ssyncset.done $0x0  }
0x3d: {  	[sflag:s13] =	ssyncadd.s32 $0xFFFFFFB0  }
0x3e: {  	v1 =	vld [tilespmem:$0x40]  }
0x3f: {  	v2 =	vld [tilespmem:$0x20]  }
0x40: {  	v3 =	vld [tilespmem:$0x10]  }
0x41: {  	v4 =	vld [tilespmem:$0x0]  }
0x42: {  	v5 =	vld [tilespmem:$0x30]  }
0x43: {  	v6 =	vshra.s32 v1, $0xE;
	v1 =	vand.u32 $0x3FFF, v1  }
0x44: {  	v7 =	vshra.s32 v2, $0xE;
	v2 =	vand.u32 $0x3FFF, v2;
	v6 =	vadd.s32 v0, v6;
	[tilespmem:$0x140] =	vst v1  }
0x45: {  	v1 =	vshra.s32 v3, $0xE;
	v7 =	vadd.s32 v0, v7;
	[tilespmem:$0x120] =	vst v2  }
0x46: {  	v2 =	vshra.s32 v4, $0xE;
	v8 =	vadd.s32 v0, v1;
	v1 =	vand.u32 $0x3FFF, v3;
	[tilespmem:$0xC0] =	vst v6  }
0x47: {  	v3 =	vand.u32 $0x3FFF, v4;
	v2 =	vadd.s32 v0, v2;
	[tilespmem:$0xA0] =	vst v7;
	v4 =	vshra.s32 v5, $0xE  }
.Ltmp0:
0x48: {  	[tilespmem:$0x110] =	vst v1;
	v1 =	vadd.s32 v0, v4;
	v4 =	vand.u32 $0x3FFF, v5;
	(pc) =	sbr.rel @p1 .LBB2_2-.Ltmp0, $4  }
0x49: {  	[tilespmem:$0x100] =	vst v3  }
0x4a: {  	[tilespmem:$0x130] =	vst v4  }
0x4b: {  	[tilespmem:$0x80] =	vst v2  }
0x4c: {  	[tilespmem:$0x90] =	vst v8  }
0x4d: {  	[tilespmem:$0xB0] =	vst v1  }
0x4e: {  	[tilespmem:s17], [sflag:$0x1] =	stream.indirect.gather [hbm4b:s1+s15], $0x80, s16, s15, $0xb8;
	[tilespmem:$0x16280] =	vst v63  }
0x4f: {  	_ =	swait.ge [sflag:s18], $0x2800  }
0x50: {  	[sflag:s18] =	ssyncset.done $0x0  }
0x51: {  	[sflag:s18] =	ssyncadd.s32 $0xFFFFD800  }
0x52: {  	[spmem:s3] =	stream.indirect.scatter.add.f32 [tilespmem:s17], [sflag:$0x2], $0x80, s19, s15, $0xb8;
	[tilespmem:$0x16280] =	vst v63  }
0x53: {  	_ =	swait.ge [sflag:s13], $0x2800  }
0x54: {  	[sflag:s13] =	ssyncset.done $0x0  }
0x55: {  	[sflag:s13] =	ssyncadd.s32 $0xFFFFD800  }
0x56: {  	[bflag:$0x0] =	sbarrier.arrive $0xFFFF  }
0x57: {  	[hbm:s8], [sflag:s6] =	dma.local [spmem:s12], $0x2700  }
0x58: {  	s21 =	sadd.s32 $0x1, s21;
	_ =	swait.ge [sflag:s13], $0x2700  }
0x59: {  	p1 =	sne.s32 s21, s10;
	[sflag:s13] =	ssyncset.done $0x0  }
.Ltmp1:
0x5a: {  	s22 =	simm.s32 @!p0 $0x2;
	[sflag:s13] =	ssyncadd.s32 $0xFFFFD900;
	(pc) =	sbr.rel @p1 .LBB2_1-.Ltmp1, $4  }
0x5b: {  	[hbm:s9], [sflag:s6] =	dma.local @!p0 [spmem:s20], $0x80  }
0x5c: {  	_ =	swait.ge @!p0 [sflag:s22], $0x80  }
0x5d: {  	[sflag:s22] =	ssyncset.done @!p0 $0x0  }
0x5e: {  	[sflag:s22] =	ssyncadd.s32 @!p0 $0xFFFFFF80  }
0x5f: {  	_ =	sfence.sel $0x180000  }
0x60: {  	[bflag:$0x0] =	sbarrier.arrive $0xFFFF  }
0x61: {  	p0 =	sne.s32 s2, $0x0;
	_ =	strace $0x90000047  }
0x62: {  	s0 =	sadd.s32 @!p0 $0x100000, s0;
	[bflag:$0x2] =	sbarrier.arrive $0xFFFF  }
0x63: {  	[sflag:s0] =	ssyncadd.tile.s32 @!p0 $0x1;
	_ =	shalt  }
.Lfunc_end2:
_tile_overlayer_lowered:
.L_overlay_start_2:
0x64: {  	(tag) =	ssettag $0x2  }
0x65: {  	s0 =	rddreg [dreg:$0x0];
	s2 =	stileid.u32  }
0x66: {  	s1 =	rddreg [dreg:$0x1];
	p0 =	sne.s32 s2, $0x0  }
0x67: {  	s3 =	rddreg [dreg:$0x2];
	[bflag:$0x3] =	sbarrier.arrive $0xFFFF;
	s2 =	simm.s32 @!p0 $0x1C02  }
0x68: {  	[timem:s3], [sflag:s2] =	dma.local @!p0 [hbm:s0], s1  }
0x69: {  	s0 =	simm.s32 @!p0 $0x2  }
0x6a: {  	_ =	swait.ge @!p0 [sflag:s0], s1  }
0x6b: {  	s1 =	ssub.s32 @!p0 $0x0, s1;
	[sflag:s0] =	ssyncset.done @!p0 $0x0  }
0x6c: {  	[sflag:s0] =	ssyncadd.s32 @!p0 s1  }
0x6d: {  	[bflag:$0x3] =	sbarrier.arrive $0xFFFF  }
0x6e: {  	_ =	shalt  }

</sc_bundles>
